<compile_context>
chip_gen: v7x
topology: tpu7x:2x2x1
jax: 0.10.2.dev20260603
libtpu: 0.0.44.dev20260713+nightly
codegen_flags: <defaults>
</compile_context>

<pallas_src>
import functools

import jax
import jax.numpy as jnp
from jax import lax
from jax.experimental import pallas as pl
from jax.experimental.pallas import tpu as pltpu
from jax.experimental.pallas import tpu_sc as plsc

_SC_NC = 2
_SC_NS = 16
_SC_NW = _SC_NC * _SC_NS



_SEGS = ((0, 2816), (2816, 5632), (5632, 8192))

def _argmin_body(z_ref, emb_ref, idx_ref, e2_ref, iota_ref):
    i = pl.program_id(0)

    @pl.when(i == 0)
    def _():
        e = emb_ref[...]
        e2_ref[...] = jnp.sum(e * e, axis=0, keepdims=True)
        iota_ref[...] = lax.broadcasted_iota(
            jnp.int32, iota_ref.shape, 1).astype(jnp.float32)

    z = z_ref[...]
    s = jnp.dot(z.astype(jnp.bfloat16), emb_ref[...].astype(jnp.bfloat16),
                preferred_element_type=jnp.float32)
    z2 = jnp.sum(z * z, axis=1, keepdims=True)
    dist = (z2 - 2.0 * s) + e2_ref[...]
    iota = iota_ref[...]
    av = None
    for lo, hi in _SEGS:
        seg = dist[:, lo:hi]
        m = jnp.min(seg, axis=1, keepdims=True)
        ix = jnp.min(jnp.where(seg == m, iota[:, lo:hi], jnp.float32(2e9)),
                     axis=1, keepdims=True)
        if av is None:
            av = m.astype(jnp.bfloat16).astype(jnp.float32)
            ai = ix
        else:
            keep = (av < m) | ((av == m) & (ai < ix))
            av = jnp.where(keep, av, m).astype(jnp.bfloat16).astype(jnp.float32)
            ai = jnp.where(keep, ai, ix)
    idx_ref[...] = ai.astype(jnp.int32).reshape(1, 1, ai.shape[0])


def _tc_argmin(z, emb, row_block):
    n, d = z.shape
    k = emb.shape[1]
    nb = n // row_block
    idx3 = pl.pallas_call(
        _argmin_body,
        grid=(nb,),
        in_specs=[
            pl.BlockSpec((row_block, d), lambda i: (i, 0)),
            pl.BlockSpec((d, k), lambda i: (0, 0)),
        ],
        out_specs=pl.BlockSpec((1, 1, row_block), lambda i: (i, 0, 0)),
        out_shape=jax.ShapeDtypeStruct((nb, 1, row_block), jnp.int32),
        scratch_shapes=[pltpu.VMEM((1, k), jnp.float32),
                        pltpu.VMEM((1, k), jnp.float32)],
    )(z, emb)
    return idx3.reshape(n)



def _sc_gather(table, idx):
    n, d = idx.shape[0], table.shape[1]
    b_per_w = n // _SC_NW
    chunk = 128
    n_chunks = b_per_w // chunk
    mesh = plsc.VectorSubcoreMesh(core_axis_name="c", subcore_axis_name="s")

    @functools.partial(
        pl.kernel,
        mesh=mesh,
        out_type=jax.ShapeDtypeStruct((n, d), jnp.float32),
        scratch_types=[
            pltpu.VMEM((n_chunks, chunk), jnp.int32),
            pltpu.VMEM((b_per_w, d), jnp.float32),
            pltpu.SemaphoreType.DMA,
        ],
    )
    def gather_kernel(table_hbm, idx_hbm, out_hbm, idx_v, rows_v, sem):
        wid = lax.axis_index("s") * _SC_NC + lax.axis_index("c")
        base = wid * b_per_w
        for g in range(n_chunks):
            pltpu.sync_copy(
                idx_hbm.at[pl.ds(base + g * chunk, chunk)],
                idx_v.at[g],
            )
        copies = []
        for g in range(n_chunks):
            copies.append(pltpu.async_copy(
                table_hbm.at[idx_v.at[g]],
                rows_v.at[pl.ds(g * chunk, chunk)],
                sem,
            ))
        for c in copies:
            c.wait()
        pltpu.sync_copy(rows_v, out_hbm.at[pl.ds(base, b_per_w)])

    return gather_kernel(table, idx)



def kernel(z_e, emb):
    b, d, h, w = z_e.shape
    n = b * h * w
    z = jnp.transpose(z_e, (0, 2, 3, 1)).reshape(n, d)
    idx = _tc_argmin(z, emb, row_block=1024)
    zq_flat = _sc_gather(emb.T, idx)
    z_q = jnp.transpose(zq_flat.reshape(b, h, w, d), (0, 3, 1, 2))
    return z_q, idx.reshape(b, h, w)

# --- scband reference (transcript-rebuilt; emitter-appended) ---
"""Pipeline reference for scband-vector-quantizer-ema-58188216926435 (READ-ONLY COPY).

The authoritative reference and input builder live on the scoring server;
editing this copy changes nothing except your own understanding.
"""

import jax, jax.numpy as jnp
import numpy as np


def setup_inputs(seed: int = 0) -> dict:
    key = jax.random.key(seed)
    k1, k2 = jax.random.split(key)
    z_e = jax.random.normal(k1, (8, 256, 32, 32), dtype=jnp.float32)
    # learned codebook buffer: emb has shape [embedding_dim, codebook_size]
    emb = jax.random.normal(k2, (256, 8192), dtype=jnp.float32) * 0.05
    return {"z_e": z_e, "emb": emb}


def reference(z_e, emb):
    # Faithful translation of VectorQuantizerEMA.forward in eval mode
    # (EMA buffer updates only happen under self.training; the returned
    # tensors (z_q, idx) are identical in train/eval).
    B, D, H, W = z_e.shape
    # permute channels last and flatten spatial dims
    z = jnp.transpose(z_e, (0, 2, 3, 1)).reshape(-1, D)
    # squared L2 distance to every codebook entry
    dist = (z ** 2).sum(axis=1, keepdims=True) - 2.0 * (z @ emb) + (emb ** 2).sum(axis=0, keepdims=True)
    idx = jnp.argmin(dist, axis=1)
    # embedding lookup: emb.T is [codebook_size, embedding_dim]
    embeddings = jnp.take(emb.T, idx, axis=0)
    # straight-through estimator
    z_q = z + jax.lax.stop_gradient(embeddings - z)
    # reshape back to [B, D, H, W]
    z_q = jnp.transpose(z_q.reshape(B, H, W, D), (0, 3, 1, 2))
    idx = idx.reshape(B, H, W)
    return (z_q, idx)

if __name__ == "__main__":
    import jax
    _d = setup_inputs()
    print(jax.jit(kernel)(*tuple(_d.values())))

</pallas_src>

<mosaic_0001>
#map = affine_map<(d0, d1) -> (0, 0)>
#map1 = affine_map<(d0, d1) -> (0)>
module attributes {stable_mosaic.version = 14 : i64} {
  func.func @gather_kernel(%arg0: i32, %arg1: i32, %arg2: memref<8192x256xf32, #tpu.memory_space<hbm>>, %arg3: memref<8192xi32, #tpu.memory_space<hbm>>, %arg4: memref<8192x256xf32, #tpu.memory_space<hbm>>, %arg5: memref<2x128xi32, #tpu.memory_space<vmem>>, %arg6: memref<256x256xf32, #tpu.memory_space<vmem>>, %arg7: memref<!tpu.dma_semaphore, #tpu.memory_space<semaphore_mem>>) attributes {dimension_semantics = [#tpu.dimension_semantics<core_parallel>, #tpu.dimension_semantics<subcore_parallel>], iteration_bounds = array<i64: 2, 16>, scalar_prefetch = 0 : i64, scratch_operands = 3 : i64, tpu.core_type = #tpu.core_type<sc_vector_subcore>, window_params = [{transform_indices = #map}, {transform_indices = #map1}, {transform_indices = #map}]} {
    %mul3A = arith.constant 2 : i32
    %mul3A_0 = arith.muli %arg1, %mul3A : i32
    %add3A = arith.addi %mul3A_0, %arg0 : i32
    %mul3A_1 = arith.constant 256 : i32
    %mul3A_2 = arith.muli %add3A, %mul3A_1 : i32
    %add3A_3 = arith.constant 0 : i32
    %add3A_4 = arith.addi %mul3A_2, %add3A_3 : i32
    %run_scoped3A = arith.constant 0 : i32
    "tpu.region"() ({
      %run_scoped3A_46 = tpu.sem_alloc : memref<!tpu.dma_semaphore, #tpu.memory_space<semaphore_mem>>
      %dma_start3A_47 = arith.constant 0 : i32
      %dma_start3A_48 = tpu.memref_slice %arg5[%run_scoped3A, %dma_start3A_47] : memref<2x128xi32, #tpu.memory_space<vmem>> -> memref<1x128xi32, #tpu.memory_space<vmem>>
      %dma_start3A_49 = tpu.memref_squeeze %dma_start3A_48 : memref<1x128xi32, #tpu.memory_space<vmem>> -> memref<128xi32, #tpu.memory_space<vmem>>
      %dma_start3A_50 = tpu.memref_slice %arg3[%add3A_4] : memref<8192xi32, #tpu.memory_space<hbm>> -> memref<128xi32, #tpu.memory_space<hbm>>
      %dma_start3A_51 = arith.constant 0 : i32
      %dma_start3A_52 = tpu.memref_slice %arg5[%run_scoped3A, %dma_start3A_51] : memref<2x128xi32, #tpu.memory_space<vmem>> -> memref<1x128xi32, #tpu.memory_space<vmem>>
      %dma_start3A_53 = tpu.memref_squeeze %dma_start3A_52 : memref<1x128xi32, #tpu.memory_space<vmem>> -> memref<128xi32, #tpu.memory_space<vmem>>
      %dma_start3A_54 = tpu.memref_slice %arg3[%add3A_4] : memref<8192xi32, #tpu.memory_space<hbm>> -> memref<128xi32, #tpu.memory_space<hbm>>
      tpu.enqueue_dma source(%dma_start3A_54 : memref<128xi32, #tpu.memory_space<hbm>>) target(%dma_start3A_53 : memref<128xi32, #tpu.memory_space<vmem>>) target_semaphore(%run_scoped3A_46 : memref<!tpu.dma_semaphore, #tpu.memory_space<semaphore_mem>>)
      %dma_wait3A_55 = arith.constant 0 : i32
      %dma_wait3A_56 = tpu.memref_slice %arg5[%run_scoped3A, %dma_wait3A_55] : memref<2x128xi32, #tpu.memory_space<vmem>> -> memref<1x128xi32, #tpu.memory_space<vmem>>
      %dma_wait3A_57 = tpu.memref_squeeze %dma_wait3A_56 : memref<1x128xi32, #tpu.memory_space<vmem>> -> memref<128xi32, #tpu.memory_space<vmem>>
      %dma_wait3A_58 = tpu.memref_slice %arg3[%add3A_4] : memref<8192xi32, #tpu.memory_space<hbm>> -> memref<128xi32, #tpu.memory_space<hbm>>
      %dma_wait3A_59 = arith.constant 0 : i32
      %dma_wait3A_60 = tpu.memref_slice %arg5[%run_scoped3A, %dma_wait3A_59] : memref<2x128xi32, #tpu.memory_space<vmem>> -> memref<1x128xi32, #tpu.memory_space<vmem>>
      %dma_wait3A_61 = tpu.memref_squeeze %dma_wait3A_60 : memref<1x128xi32, #tpu.memory_space<vmem>> -> memref<128xi32, #tpu.memory_space<vmem>>
      %dma_wait3A_62 = tpu.memref_slice %arg3[%add3A_4] : memref<8192xi32, #tpu.memory_space<hbm>> -> memref<128xi32, #tpu.memory_space<hbm>>
      tpu.wait_dma2 semaphore(%run_scoped3A_46 : memref<!tpu.dma_semaphore, #tpu.memory_space<semaphore_mem>>) src(%dma_wait3A_62 : memref<128xi32, #tpu.memory_space<hbm>>) dst(%dma_wait3A_61 : memref<128xi32, #tpu.memory_space<vmem>>)
      tpu.yield
    }) : () -> ()
    %add3A_5 = arith.constant 128 : i32
    %add3A_6 = arith.addi %mul3A_2, %add3A_5 : i32
    %run_scoped3A_7 = arith.constant 1 : i32
    "tpu.region"() ({
      %run_scoped3A_46 = tpu.sem_alloc : memref<!tpu.dma_semaphore, #tpu.memory_space<semaphore_mem>>
      %dma_start3A_47 = arith.constant 0 : i32
      %dma_start3A_48 = tpu.memref_slice %arg5[%run_scoped3A_7, %dma_start3A_47] : memref<2x128xi32, #tpu.memory_space<vmem>> -> memref<1x128xi32, #tpu.memory_space<vmem>>
      %dma_start3A_49 = tpu.memref_squeeze %dma_start3A_48 : memref<1x128xi32, #tpu.memory_space<vmem>> -> memref<128xi32, #tpu.memory_space<vmem>>
      %dma_start3A_50 = tpu.memref_slice %arg3[%add3A_6] : memref<8192xi32, #tpu.memory_space<hbm>> -> memref<128xi32, #tpu.memory_space<hbm>>
      %dma_start3A_51 = arith.constant 0 : i32
      %dma_start3A_52 = tpu.memref_slice %arg5[%run_scoped3A_7, %dma_start3A_51] : memref<2x128xi32, #tpu.memory_space<vmem>> -> memref<1x128xi32, #tpu.memory_space<vmem>>
      %dma_start3A_53 = tpu.memref_squeeze %dma_start3A_52 : memref<1x128xi32, #tpu.memory_space<vmem>> -> memref<128xi32, #tpu.memory_space<vmem>>
      %dma_start3A_54 = tpu.memref_slice %arg3[%add3A_6] : memref<8192xi32, #tpu.memory_space<hbm>> -> memref<128xi32, #tpu.memory_space<hbm>>
      tpu.enqueue_dma source(%dma_start3A_54 : memref<128xi32, #tpu.memory_space<hbm>>) target(%dma_start3A_53 : memref<128xi32, #tpu.memory_space<vmem>>) target_semaphore(%run_scoped3A_46 : memref<!tpu.dma_semaphore, #tpu.memory_space<semaphore_mem>>)
      %dma_wait3A_55 = arith.constant 0 : i32
      %dma_wait3A_56 = tpu.memref_slice %arg5[%run_scoped3A_7, %dma_wait3A_55] : memref<2x128xi32, #tpu.memory_space<vmem>> -> memref<1x128xi32, #tpu.memory_space<vmem>>
      %dma_wait3A_57 = tpu.memref_squeeze %dma_wait3A_56 : memref<1x128xi32, #tpu.memory_space<vmem>> -> memref<128xi32, #tpu.memory_space<vmem>>
      %dma_wait3A_58 = tpu.memref_slice %arg3[%add3A_6] : memref<8192xi32, #tpu.memory_space<hbm>> -> memref<128xi32, #tpu.memory_space<hbm>>
      %dma_wait3A_59 = arith.constant 0 : i32
      %dma_wait3A_60 = tpu.memref_slice %arg5[%run_scoped3A_7, %dma_wait3A_59] : memref<2x128xi32, #tpu.memory_space<vmem>> -> memref<1x128xi32, #tpu.memory_space<vmem>>
      %dma_wait3A_61 = tpu.memref_squeeze %dma_wait3A_60 : memref<1x128xi32, #tpu.memory_space<vmem>> -> memref<128xi32, #tpu.memory_space<vmem>>
      %dma_wait3A_62 = tpu.memref_slice %arg3[%add3A_6] : memref<8192xi32, #tpu.memory_space<hbm>> -> memref<128xi32, #tpu.memory_space<hbm>>
      tpu.wait_dma2 semaphore(%run_scoped3A_46 : memref<!tpu.dma_semaphore, #tpu.memory_space<semaphore_mem>>) src(%dma_wait3A_62 : memref<128xi32, #tpu.memory_space<hbm>>) dst(%dma_wait3A_61 : memref<128xi32, #tpu.memory_space<vmem>>)
      tpu.yield
    }) : () -> ()
    %dma_start3A = arith.constant 0 : i32
    %dma_start3A_8 = arith.constant 0 : i32
    %dma_start3A_9 = arith.constant 0 : i32
    %dma_start3A_10 = tpu.memref_slice %arg6[%dma_start3A_8, %dma_start3A_9] : memref<256x256xf32, #tpu.memory_space<vmem>> -> memref<128x256xf32, #tpu.memory_space<vmem>>
    %dma_start3A_11 = arith.constant 0 : i32
    %dma_start3A_12 = tpu.memref_slice %arg5[%dma_start3A, %dma_start3A_11] : memref<2x128xi32, #tpu.memory_space<vmem>> -> memref<1x128xi32, #tpu.memory_space<vmem>>
    %dma_start3A_13 = tpu.memref_squeeze %dma_start3A_12 : memref<1x128xi32, #tpu.memory_space<vmem>> -> memref<128xi32, #tpu.memory_space<vmem>>
    %dma_start3A_14 = arith.constant 0 : i32
    %dma_start3A_15 = arith.constant 0 : i32
    %dma_start3A_16 = tpu.memref_slice %arg2[%dma_start3A_14, %dma_start3A_15] : memref<8192x256xf32, #tpu.memory_space<hbm>> -> memref<8192x256xf32, #tpu.memory_space<hbm>>
    tpu.enqueue_indirect_dma source(%dma_start3A_16 : memref<8192x256xf32, #tpu.memory_space<hbm>>) target(%dma_start3A_10 : memref<128x256xf32, #tpu.memory_space<vmem>>) offsets(%dma_start3A_13 : memref<128xi32, #tpu.memory_space<vmem>>) semaphore(%arg7 : memref<!tpu.dma_semaphore, #tpu.memory_space<semaphore_mem>>)
    %dma_start3A_17 = arith.constant 1 : i32
    %dma_start3A_18 = arith.constant 128 : i32
    %dma_start3A_19 = arith.constant 0 : i32
    %dma_start3A_20 = tpu.memref_slice %arg6[%dma_start3A_18, %dma_start3A_19] : memref<256x256xf32, #tpu.memory_space<vmem>> -> memref<128x256xf32, #tpu.memory_space<vmem>>
    %dma_start3A_21 = arith.constant 0 : i32
    %dma_start3A_22 = tpu.memref_slice %arg5[%dma_start3A_17, %dma_start3A_21] : memref<2x128xi32, #tpu.memory_space<vmem>> -> memref<1x128xi32, #tpu.memory_space<vmem>>
    %dma_start3A_23 = tpu.memref_squeeze %dma_start3A_22 : memref<1x128xi32, #tpu.memory_space<vmem>> -> memref<128xi32, #tpu.memory_space<vmem>>
    %dma_start3A_24 = arith.constant 0 : i32
    %dma_start3A_25 = arith.constant 0 : i32
    %dma_start3A_26 = tpu.memref_slice %arg2[%dma_start3A_24, %dma_start3A_25] : memref<8192x256xf32, #tpu.memory_space<hbm>> -> memref<8192x256xf32, #tpu.memory_space<hbm>>
    tpu.enqueue_indirect_dma source(%dma_start3A_26 : memref<8192x256xf32, #tpu.memory_space<hbm>>) target(%dma_start3A_20 : memref<128x256xf32, #tpu.memory_space<vmem>>) offsets(%dma_start3A_23 : memref<128xi32, #tpu.memory_space<vmem>>) semaphore(%arg7 : memref<!tpu.dma_semaphore, #tpu.memory_space<semaphore_mem>>)
    %dma_wait3A = arith.constant 0 : i32
    %dma_wait3A_27 = arith.constant 0 : i32
    %dma_wait3A_28 = arith.constant 0 : i32
    %dma_wait3A_29 = tpu.memref_slice %arg6[%dma_wait3A_27, %dma_wait3A_28] : memref<256x256xf32, #tpu.memory_space<vmem>> -> memref<128x256xf32, #tpu.memory_space<vmem>>
    %dma_wait3A_30 = arith.constant 0 : i32
    %dma_wait3A_31 = tpu.memref_slice %arg5[%dma_wait3A, %dma_wait3A_30] : memref<2x128xi32, #tpu.memory_space<vmem>> -> memref<1x128xi32, #tpu.memory_space<vmem>>
    %dma_wait3A_32 = tpu.memref_squeeze %dma_wait3A_31 : memref<1x128xi32, #tpu.memory_space<vmem>> -> memref<128xi32, #tpu.memory_space<vmem>>
    %dma_wait3A_33 = arith.constant 0 : i32
    %dma_wait3A_34 = arith.constant 0 : i32
    %dma_wait3A_35 = tpu.memref_slice %arg2[%dma_wait3A_33, %dma_wait3A_34] : memref<8192x256xf32, #tpu.memory_space<hbm>> -> memref<8192x256xf32, #tpu.memory_space<hbm>>
    tpu.wait_indirect_dma semaphore(%arg7 : memref<!tpu.dma_semaphore, #tpu.memory_space<semaphore_mem>>) src(%dma_wait3A_35 : memref<8192x256xf32, #tpu.memory_space<hbm>>) dst(%dma_wait3A_29 : memref<128x256xf32, #tpu.memory_space<vmem>>)
    %dma_wait3A_36 = arith.constant 1 : i32
    %dma_wait3A_37 = arith.constant 128 : i32
    %dma_wait3A_38 = arith.constant 0 : i32
    %dma_wait3A_39 = tpu.memref_slice %arg6[%dma_wait3A_37, %dma_wait3A_38] : memref<256x256xf32, #tpu.memory_space<vmem>> -> memref<128x256xf32, #tpu.memory_space<vmem>>
    %dma_wait3A_40 = arith.constant 0 : i32
    %dma_wait3A_41 = tpu.memref_slice %arg5[%dma_wait3A_36, %dma_wait3A_40] : memref<2x128xi32, #tpu.memory_space<vmem>> -> memref<1x128xi32, #tpu.memory_space<vmem>>
    %dma_wait3A_42 = tpu.memref_squeeze %dma_wait3A_41 : memref<1x128xi32, #tpu.memory_space<vmem>> -> memref<128xi32, #tpu.memory_space<vmem>>
    %dma_wait3A_43 = arith.constant 0 : i32
    %dma_wait3A_44 = arith.constant 0 : i32
    %dma_wait3A_45 = tpu.memref_slice %arg2[%dma_wait3A_43, %dma_wait3A_44] : memref<8192x256xf32, #tpu.memory_space<hbm>> -> memref<8192x256xf32, #tpu.memory_space<hbm>>
    tpu.wait_indirect_dma semaphore(%arg7 : memref<!tpu.dma_semaphore, #tpu.memory_space<semaphore_mem>>) src(%dma_wait3A_45 : memref<8192x256xf32, #tpu.memory_space<hbm>>) dst(%dma_wait3A_39 : memref<128x256xf32, #tpu.memory_space<vmem>>)
    "tpu.region"() ({
      %run_scoped3A_46 = tpu.sem_alloc : memref<!tpu.dma_semaphore, #tpu.memory_space<semaphore_mem>>
      %dma_start3A_47 = arith.constant 0 : i32
      %dma_start3A_48 = tpu.memref_slice %arg4[%mul3A_2, %dma_start3A_47] : memref<8192x256xf32, #tpu.memory_space<hbm>> -> memref<256x256xf32, #tpu.memory_space<hbm>>
      %dma_start3A_49 = arith.constant 0 : i32
      %dma_start3A_50 = tpu.memref_slice %arg4[%mul3A_2, %dma_start3A_49] : memref<8192x256xf32, #tpu.memory_space<hbm>> -> memref<256x256xf32, #tpu.memory_space<hbm>>
      tpu.enqueue_dma source(%arg6 : memref<256x256xf32, #tpu.memory_space<vmem>>) target(%dma_start3A_50 : memref<256x256xf32, #tpu.memory_space<hbm>>) target_semaphore(%run_scoped3A_46 : memref<!tpu.dma_semaphore, #tpu.memory_space<semaphore_mem>>)
      %dma_wait3A_51 = arith.constant 0 : i32
      %dma_wait3A_52 = tpu.memref_slice %arg4[%mul3A_2, %dma_wait3A_51] : memref<8192x256xf32, #tpu.memory_space<hbm>> -> memref<256x256xf32, #tpu.memory_space<hbm>>
      %dma_wait3A_53 = arith.constant 0 : i32
      %dma_wait3A_54 = tpu.memref_slice %arg4[%mul3A_2, %dma_wait3A_53] : memref<8192x256xf32, #tpu.memory_space<hbm>> -> memref<256x256xf32, #tpu.memory_space<hbm>>
      tpu.wait_dma2 semaphore(%run_scoped3A_46 : memref<!tpu.dma_semaphore, #tpu.memory_space<semaphore_mem>>) src(%arg6 : memref<256x256xf32, #tpu.memory_space<vmem>>) dst(%dma_wait3A_54 : memref<256x256xf32, #tpu.memory_space<hbm>>)
      tpu.yield
    }) : () -> ()
    return
  }
}

module attributes {stable_mosaic.version = 14 : i64} {
  func.func @_argmin_body(%arg0: i32, %arg1: memref<1024x256xf32, #tpu.memory_space<vmem>>, %arg2: memref<256x8192xf32, #tpu.memory_space<vmem>>, %arg3: memref<1x1x1024xi32, #tpu.memory_space<vmem>>, %arg4: memref<1x8192xf32, #tpu.memory_space<vmem>>, %arg5: memref<1x8192xf32, #tpu.memory_space<vmem>>) attributes {dimension_semantics = [#tpu.dimension_semantics<arbitrary>], iteration_bounds = array<i64: 8>, scalar_prefetch = 0 : i64, scratch_operands = 2 : i64, tpu.core_type = #tpu.core_type<tc>, window_params = [{transform_indices = @transform_0, window_bounds = array<i64: 1024, 256>}, {pipeline_mode = #tpu.pipeline_mode<synchronous>, transform_indices = @transform_1, window_bounds = array<i64: 256, 8192>}, {transform_indices = @transform_2, window_bounds = array<i64: 1, 1, 1024>}]} {
    %eq3A = arith.constant 0 : i32
    %eq3A_0 = arith.cmpi eq, %arg0, %eq3A : i32
    %convert_element_type3A = arith.extui %eq3A_0 : i1 to i32
    %cond3A = arith.constant 0 : i32
    %cond3A_1 = arith.cmpi ne, %convert_element_type3A, %cond3A : i32
    scf.if %cond3A_1 {
      %get3A_81 = arith.constant 0 : index
      %get3A_82 = arith.constant 0 : index
      %get3A_83 = vector.load %arg2[%get3A_81, %get3A_82] : memref<256x8192xf32, #tpu.memory_space<vmem>>, vector<256x8192xf32>
      %mul3A_84 = arith.mulf %get3A_83, %get3A_83 : vector<256x8192xf32>
      %reduce_sum3A_85 = arith.constant dense<0.000000e+00> : vector<8192xf32>
      %reduce_sum3A_86 = vector.multi_reduction <add>, %mul3A_84, %reduce_sum3A_85 [0] : vector<256x8192xf32> to vector<8192xf32>
      %broadcast_in_dim3A_87 = vector.shape_cast %reduce_sum3A_86 : vector<8192xf32> to vector<1x8192xf32>
      %swap3A_88 = arith.constant 0 : index
      %swap3A_89 = arith.constant 0 : index
      %swap3A_90 = vector.load %arg4[%swap3A_88, %swap3A_89] : memref<1x8192xf32, #tpu.memory_space<vmem>>, vector<1x8192xf32>
      tpu.vector_store %arg4[%swap3A_88, %swap3A_89], %broadcast_in_dim3A_87 {strides = array<i32>} : memref<1x8192xf32, #tpu.memory_space<vmem>>, vector<1x8192xf32>,
      %iota3A = tpu.iota {dimensions = array<i32: 1>} : vector<1x8192xi32>
      %convert_element_type3A_91 = arith.sitofp %iota3A : vector<1x8192xi32> to vector<1x8192xf32>
      %swap3A_92 = arith.constant 0 : index
      %swap3A_93 = arith.constant 0 : index
      %swap3A_94 = vector.load %arg5[%swap3A_92, %swap3A_93] : memref<1x8192xf32, #tpu.memory_space<vmem>>, vector<1x8192xf32>
      tpu.vector_store %arg5[%swap3A_92, %swap3A_93], %convert_element_type3A_91 {strides = array<i32>} : memref<1x8192xf32, #tpu.memory_space<vmem>>, vector<1x8192xf32>,
    } else {
    }
    %get3A = arith.constant 0 : index
    %get3A_2 = arith.constant 0 : index
    %get3A_3 = vector.load %arg1[%get3A, %get3A_2] : memref<1024x256xf32, #tpu.memory_space<vmem>>, vector<1024x256xf32>
    %convert_element_type3A_4 = arith.truncf %get3A_3 : vector<1024x256xf32> to vector<1024x256xbf16>
    %get3A_5 = arith.constant 0 : index
    %get3A_6 = arith.constant 0 : index
    %get3A_7 = vector.load %arg2[%get3A_5, %get3A_6] : memref<256x8192xf32, #tpu.memory_space<vmem>>, vector<256x8192xf32>
    %convert_element_type3A_8 = arith.truncf %get3A_7 : vector<256x8192xf32> to vector<256x8192xbf16>
    %dot_general3A = arith.constant dense<0.000000e+00> : vector<1024x8192xf32>
    %dot_general3A_9 = tpu.matmul %convert_element_type3A_4, %convert_element_type3A_8, %dot_general3A {dimension_numbers = #tpu.dot_dimension_numbers<[1], [0], [0], [1], [0, 0, 1, 1], [], []>, transpose_lhs_hint = false} : vector<1024x256xbf16>, vector<256x8192xbf16>, vector<1024x8192xf32> -> vector<1024x8192xf32>
    %mul3A = arith.mulf %get3A_3, %get3A_3 : vector<1024x256xf32>
    %reduce_sum3A = arith.constant dense<0.000000e+00> : vector<1024xf32>
    %reduce_sum3A_10 = vector.multi_reduction <add>, %mul3A, %reduce_sum3A [1] : vector<1024x256xf32> to vector<1024xf32>
    %broadcast_in_dim3A = vector.shape_cast %reduce_sum3A_10 : vector<1024xf32> to vector<1024x1xf32>
    %mul3A_11 = arith.constant 2.000000e+00 : f32
    %mul3A_12 = vector.broadcast %mul3A_11 : f32 to vector<1024x8192xf32>
    %mul3A_13 = arith.mulf %mul3A_12, %dot_general3A_9 : vector<1024x8192xf32>
    %sub3A = vector.broadcast %broadcast_in_dim3A : vector<1024x1xf32> to vector<1024x8192xf32>
    %sub3A_14 = arith.subf %sub3A, %mul3A_13 : vector<1024x8192xf32>
    %get3A_15 = arith.constant 0 : index
    %get3A_16 = arith.constant 0 : index
    %get3A_17 = vector.load %arg4[%get3A_15, %get3A_16] : memref<1x8192xf32, #tpu.memory_space<vmem>>, vector<1x8192xf32>
    %add3A = vector.broadcast %get3A_17 : vector<1x8192xf32> to vector<1024x8192xf32>
    %add3A_18 = arith.addf %sub3A_14, %add3A : vector<1024x8192xf32>
    %get3A_19 = arith.constant 0 : index
    %get3A_20 = arith.constant 0 : index
    %get3A_21 = vector.load %arg5[%get3A_19, %get3A_20] : memref<1x8192xf32, #tpu.memory_space<vmem>>, vector<1x8192xf32>
    %slice3A = vector.extract_strided_slice %add3A_18 {offsets = [0, 0], sizes = [1024, 2816], strides = [1, 1]} : vector<1024x8192xf32> to vector<1024x2816xf32>
    %reduce_min3A = arith.constant dense<0x7F800000> : vector<1024xf32>
    %reduce_min3A_22 = vector.multi_reduction <minimumf>, %slice3A, %reduce_min3A [1] : vector<1024x2816xf32> to vector<1024xf32>
    %broadcast_in_dim3A_23 = vector.shape_cast %reduce_min3A_22 : vector<1024xf32> to vector<1024x1xf32>
    %eq3A_24 = vector.broadcast %broadcast_in_dim3A_23 : vector<1024x1xf32> to vector<1024x2816xf32>
    %eq3A_25 = arith.cmpf oeq, %slice3A, %eq3A_24 : vector<1024x2816xf32>
    %slice3A_26 = vector.extract_strided_slice %get3A_21 {offsets = [0, 0], sizes = [1, 2816], strides = [1, 1]} : vector<1x8192xf32> to vector<1x2816xf32>
    %jit3A = arith.constant 2.000000e+09 : f32
    %broadcast_in_dim3A_27 = vector.shape_cast %slice3A_26 : vector<1x2816xf32> to vector<1x2816xf32>
    %broadcast_in_dim3A_28 = vector.broadcast %broadcast_in_dim3A_27 : vector<1x2816xf32> to vector<1024x2816xf32>
    %broadcast_in_dim3A_29 = vector.broadcast %jit3A : f32 to vector<1024x2816xf32>
    %select_n3A = arith.select %eq3A_25, %broadcast_in_dim3A_28, %broadcast_in_dim3A_29 : vector<1024x2816xi1>, vector<1024x2816xf32>
    %reduce_min3A_30 = arith.constant dense<0x7F800000> : vector<1024xf32>
    %reduce_min3A_31 = vector.multi_reduction <minimumf>, %select_n3A, %reduce_min3A_30 [1] : vector<1024x2816xf32> to vector<1024xf32>
    %broadcast_in_dim3A_32 = vector.shape_cast %reduce_min3A_31 : vector<1024xf32> to vector<1024x1xf32>
    %convert_element_type3A_33 = arith.truncf %broadcast_in_dim3A_23 : vector<1024x1xf32> to vector<1024x1xbf16>
    %convert_element_type3A_34 = arith.extf %convert_element_type3A_33 : vector<1024x1xbf16> to vector<1024x1xf32>
    %slice3A_35 = vector.extract_strided_slice %add3A_18 {offsets = [0, 2816], sizes = [1024, 2816], strides = [1, 1]} : vector<1024x8192xf32> to vector<1024x2816xf32>
    %reduce_min3A_36 = arith.constant dense<0x7F800000> : vector<1024xf32>
    %reduce_min3A_37 = vector.multi_reduction <minimumf>, %slice3A_35, %reduce_min3A_36 [1] : vector<1024x2816xf32> to vector<1024xf32>
    %broadcast_in_dim3A_38 = vector.shape_cast %reduce_min3A_37 : vector<1024xf32> to vector<1024x1xf32>
    %eq3A_39 = vector.broadcast %broadcast_in_dim3A_38 : vector<1024x1xf32> to vector<1024x2816xf32>
    %eq3A_40 = arith.cmpf oeq, %slice3A_35, %eq3A_39 : vector<1024x2816xf32>
    %slice3A_41 = vector.extract_strided_slice %get3A_21 {offsets = [0, 2816], sizes = [1, 2816], strides = [1, 1]} : vector<1x8192xf32> to vector<1x2816xf32>
    %jit3A_42 = arith.constant 2.000000e+09 : f32
    %broadcast_in_dim3A_43 = vector.shape_cast %slice3A_41 : vector<1x2816xf32> to vector<1x2816xf32>
    %broadcast_in_dim3A_44 = vector.broadcast %broadcast_in_dim3A_43 : vector<1x2816xf32> to vector<1024x2816xf32>
    %broadcast_in_dim3A_45 = vector.broadcast %jit3A_42 : f32 to vector<1024x2816xf32>
    %select_n3A_46 = arith.select %eq3A_40, %broadcast_in_dim3A_44, %broadcast_in_dim3A_45 : vector<1024x2816xi1>, vector<1024x2816xf32>
    %reduce_min3A_47 = arith.constant dense<0x7F800000> : vector<1024xf32>
    %reduce_min3A_48 = vector.multi_reduction <minimumf>, %select_n3A_46, %reduce_min3A_47 [1] : vector<1024x2816xf32> to vector<1024xf32>
    %broadcast_in_dim3A_49 = vector.shape_cast %reduce_min3A_48 : vector<1024xf32> to vector<1024x1xf32>
    %lt3A = arith.cmpf olt, %convert_element_type3A_34, %broadcast_in_dim3A_38 : vector<1024x1xf32>
    %eq3A_50 = arith.cmpf oeq, %convert_element_type3A_34, %broadcast_in_dim3A_38 : vector<1024x1xf32>
    %lt3A_51 = arith.cmpf olt, %broadcast_in_dim3A_32, %broadcast_in_dim3A_49 : vector<1024x1xf32>
    %and3A = arith.andi %eq3A_50, %lt3A_51 : vector<1024x1xi1>
    %or3A = arith.ori %lt3A, %and3A : vector<1024x1xi1>
    %select_n3A_52 = arith.select %or3A, %convert_element_type3A_34, %broadcast_in_dim3A_38 : vector<1024x1xi1>, vector<1024x1xf32>
    %convert_element_type3A_53 = arith.truncf %select_n3A_52 : vector<1024x1xf32> to vector<1024x1xbf16>
    %convert_element_type3A_54 = arith.extf %convert_element_type3A_53 : vector<1024x1xbf16> to vector<1024x1xf32>
    %select_n3A_55 = arith.select %or3A, %broadcast_in_dim3A_32, %broadcast_in_dim3A_49 : vector<1024x1xi1>, vector<1024x1xf32>
    %slice3A_56 = vector.extract_strided_slice %add3A_18 {offsets = [0, 5632], sizes = [1024, 2560], strides = [1, 1]} : vector<1024x8192xf32> to vector<1024x2560xf32>
    %reduce_min3A_57 = arith.constant dense<0x7F800000> : vector<1024xf32>
    %reduce_min3A_58 = vector.multi_reduction <minimumf>, %slice3A_56, %reduce_min3A_57 [1] : vector<1024x2560xf32> to vector<1024xf32>
    %broadcast_in_dim3A_59 = vector.shape_cast %reduce_min3A_58 : vector<1024xf32> to vector<1024x1xf32>
    %eq3A_60 = vector.broadcast %broadcast_in_dim3A_59 : vector<1024x1xf32> to vector<1024x2560xf32>
    %eq3A_61 = arith.cmpf oeq, %slice3A_56, %eq3A_60 : vector<1024x2560xf32>
    %slice3A_62 = vector.extract_strided_slice %get3A_21 {offsets = [0, 5632], sizes = [1, 2560], strides = [1, 1]} : vector<1x8192xf32> to vector<1x2560xf32>
    %jit3A_63 = arith.constant 2.000000e+09 : f32
    %broadcast_in_dim3A_64 = vector.shape_cast %slice3A_62 : vector<1x2560xf32> to vector<1x2560xf32>
    %broadcast_in_dim3A_65 = vector.broadcast %broadcast_in_dim3A_64 : vector<1x2560xf32> to vector<1024x2560xf32>
    %broadcast_in_dim3A_66 = vector.broadcast %jit3A_63 : f32 to vector<1024x2560xf32>
    %select_n3A_67 = arith.select %eq3A_61, %broadcast_in_dim3A_65, %broadcast_in_dim3A_66 : vector<1024x2560xi1>, vector<1024x2560xf32>
    %reduce_min3A_68 = arith.constant dense<0x7F800000> : vector<1024xf32>
    %reduce_min3A_69 = vector.multi_reduction <minimumf>, %select_n3A_67, %reduce_min3A_68 [1] : vector<1024x2560xf32> to vector<1024xf32>
    %broadcast_in_dim3A_70 = vector.shape_cast %reduce_min3A_69 : vector<1024xf32> to vector<1024x1xf32>
    %lt3A_71 = arith.cmpf olt, %convert_element_type3A_54, %broadcast_in_dim3A_59 : vector<1024x1xf32>
    %eq3A_72 = arith.cmpf oeq, %convert_element_type3A_54, %broadcast_in_dim3A_59 : vector<1024x1xf32>
    %lt3A_73 = arith.cmpf olt, %select_n3A_55, %broadcast_in_dim3A_70 : vector<1024x1xf32>
    %and3A_74 = arith.andi %eq3A_72, %lt3A_73 : vector<1024x1xi1>
    %or3A_75 = arith.ori %lt3A_71, %and3A_74 : vector<1024x1xi1>
    %select_n3A_76 = arith.select %or3A_75, %select_n3A_55, %broadcast_in_dim3A_70 : vector<1024x1xi1>, vector<1024x1xf32>
    %convert_element_type3A_77 = arith.fptosi %select_n3A_76 : vector<1024x1xf32> to vector<1024x1xi32>
    %reshape3A = vector.shape_cast %convert_element_type3A_77 : vector<1024x1xi32> to vector<1x1x1024xi32>
    %swap3A = arith.constant 0 : index
    %swap3A_78 = arith.constant 0 : index
    %swap3A_79 = arith.constant 0 : index
    %swap3A_80 = vector.load %arg3[%swap3A, %swap3A_78, %swap3A_79] : memref<1x1x1024xi32, #tpu.memory_space<vmem>>, vector<1x1x1024xi32>
    tpu.vector_store %arg3[%swap3A, %swap3A_78, %swap3A_79], %reshape3A {strides = array<i32>} : memref<1x1x1024xi32, #tpu.memory_space<vmem>>, vector<1x1x1024xi32>,
    return
  }
  func.func @transform_0(%arg0: i32) -> (i32, i32) {
    %c0_i32 = arith.constant 0 : i32
    %c0_i32_0 = arith.constant 0 : i32
    return %arg0, %c0_i32 : i32, i32
  }
  func.func @transform_1(%arg0: i32) -> (i32, i32) {
    %c0_i32 = arith.constant 0 : i32
    %c0_i32_0 = arith.constant 0 : i32
    %c0_i32_1 = arith.constant 0 : i32
    return %c0_i32, %c0_i32_0 : i32, i32
  }
  func.func @transform_2(%arg0: i32) -> (i32, i32, i32) {
    %c0_i32 = arith.constant 0 : i32
    %c0_i32_0 = arith.constant 0 : i32
    %c0_i32_1 = arith.constant 0 : i32
    return %arg0, %c0_i32, %c0_i32_0 : i32, i32, i32
  }
}

</mosaic_0001>

<sc_bundles>
// kernel: kernel.4.cloned.1.call-start
scs
__scs_entry_jumppad:
0x0: {  	(pc) =	sbr.rel $0x88, $3  }
0x1: {  	(tag) =	ssettag $0x0;
	lr =	simm.s32 $0x1  }
0x2: {  	[smem:$0x3F9F] =	sst lr;
	_ =	strace $0xD0000000  }
0x3: {  	_ = 	snop  }
0x4: {  	_ = 	snop  }
0x5: {  	_ = 	snop  }
0x6: {  	_ = 	snop  }
0x7: {  	_ = 	snop  }
__scs_overlays_trampoline_lowered:
0x8: {  	[smem:$0x3FAE] =	sst s0  }
0x9: {  	[smem:$0x3FAF] =	sst s1  }
0xa: {  	[smem:$0x3FB0] =	sst s2  }
0xb: {  	[smem:$0x3FB1] =	sst s3  }
0xc: {  	[smem:$0x3FB2] =	sst s4  }
0xd: {  	[smem:$0x3FB3] =	sst s5  }
0xe: {  	[smem:$0x3FB4] =	sst s6  }
0xf: {  	[smem:$0x3FB5] =	sst s7  }
0x10: {  	[smem:$0x3FB6] =	sst s8  }
0x11: {  	[smem:$0x3FB7] =	sst s9;
	s0 =	simm.s32 @!p0 $0x0  }
0x12: {  	s1 =	sld [smem:$0x3F9D];
	s0 =	simm.s32 @p0 $0x1  }
0x13: {  	[smem:$0x3FB8] =	sst s0;
	s0 =	simm.s32 @!p1 $0x0  }
0x14: {  	s2 =	sld [smem:$0x3F9C];
	s0 =	simm.s32 @p1 $0x1  }
0x15: {  	[smem:$0x3FB9] =	sst s0;
	s0 =	simm.s32 @!p2 $0x0  }
0x16: {  	s3 =	sld [smem:$0x3FDB];
	s0 =	simm.s32 @p2 $0x1  }
0x17: {  	s4 =	simm.s32 $0x1BF5;
	[smem:$0x3FBB] =	sst s0  }
0x18: {  	s0 =	sld [smem:$0x3F9E];
	_ =	swait.ge [sflag:s4], $0x0  }
0x19: {  	s7 =	sld [smem:$0x3F9F]  }
0x1a: {  	s8 =	sadd.s32 $0xFFFFE003, lr  }
0x1b: {  	s9 =	sadd.s32 $0xFFFFFEF7, lr;
	s5 =	simm.s32 $0xFFFFFFFF;
	p2 =	slt.u32 s8, $0xFFFFF086  }
0x1c: {  	p1 =	slt.u32 s9, $0xF7A;
	s5 =	simm.s32 @!p2 $0x0  }
0x1d: {  	s5 =	simm.s32 @p1 $0x1;
	p0 =	seq.s32 s7, s2  }
0x1e: {  	s7 =	smul.u32 @!p0 $0xF7A, s2;
	p2 =	seq.s32 @!p0 s5, $0x0  }
0x1f: {  	s9 =	smul.u32 $0xF7A, s1;
	s8 =	simm.s32 @!p0 $0x1BF5;
	p2 =	por !p2, p0  }
0x20: {  	[sflag:s8] =	ssyncset.s32 @!p0 $0xFFFFF086;
	s6 =	sadd.s32 @!p0 s3, s7;
	s7 =	simm.s32 @!p0 $0x108  }
0x21: {  	s3 =	sadd.s32 s3, s9;
	s6 =	sadd.s32 @!p0 $0x88, s6;
	s7 =	simm.s32 @p2 $0x1082  }
0x22: {  	[simem:s7], [sflag:s8] =	dma.local @!p0 [hbm:s6], $0xF7A  }
0x23: {  	s9 =	sor.u32 $0xD0000000, s2;
	s6 =	simm.s32 $0x108;
	_ =	swait.ge @!p0 [sflag:s8], $0x0  }
0x24: {  	s3 =	sadd.s32 $0x88, s3;
	s6 =	simm.s32 @!p1 $0x1082;
	[sflag:s4] =	ssyncset.s32 $0xFFFFF086  }
0x25: {  	[simem:s6], [sflag:s4] =	dma.local [hbm:s3], $0xF7A  }
0x26: {  	[smem:$0x3F9F] =	sst s1;
	(tag) =	ssettag s2;
	_ =	strace s9  }
0x27: {  	s1 =	sld [smem:$0x3FAF]  }
0x28: {  	s2 =	sld [smem:$0x3FB0]  }
0x29: {  	s4 =	sld [smem:$0x3FB2]  }
0x2a: {  	p0 =	seq.s32 s5, $0x0;
	s5 =	sld [smem:$0x3FB3]  }
0x2b: {  	s6 =	sld [smem:$0x3FB4]  }
0x2c: {  	s7 =	sld [smem:$0x3FB5]  }
0x2d: {  	s3 =	simm.s32 $0x108;
	s8 =	sld [smem:$0x3FB6]  }
0x2e: {  	s3 =	simm.s32 @!p0 $0x1082;
	s9 =	sld [smem:$0x3FB7]  }
0x2f: {  	lr =	sadd.s32 s0, s3;
	s0 =	sld [smem:$0x3FAE]  }
0x30: {  	s3 =	sld [smem:$0x3FB1]  }
0x31: {  	[smem:$0x3FBA] =	sst s10  }
0x32: {  	s10 =	sld [smem:$0x3FB8];
	_ =	sdelay $0x3  }
0x33: {  	p0 =	seq.s32 s10, $0x1;
	s10 =	sld [smem:$0x3FBA];
	_ =	sdelay $0x3  }
0x34: {  	[smem:$0x3FBA] =	sst s10  }
0x35: {  	s10 =	sld [smem:$0x3FB9];
	_ =	sdelay $0x3  }
0x36: {  	p1 =	seq.s32 s10, $0x1;
	s10 =	sld [smem:$0x3FBA];
	_ =	sdelay $0x3  }
0x37: {  	[smem:$0x3FBA] =	sst s10  }
0x38: {  	s10 =	sld [smem:$0x3FBB]  }
0x39: {  	_ = 	snop;
	(pc) =	sbr.ind lr, $3  }
0x3a: {  	_ = 	snop  }
0x3b: {  	_ = 	snop  }
0x3c: {  	p2 =	seq.s32 s10, $0x1;
	s10 =	sld [smem:$0x3FBA]  }
0x3d: {  	_ =	shalt  }
0x3e: {  	_ =	shalt  }
0x3f: {  	_ =	shalt  }
0x40: {  	_ =	shalt  }
0x41: {  	_ =	shalt  }
0x42: {  	_ =	shalt  }
0x43: {  	_ =	shalt  }
0x44: {  	_ =	shalt  }
0x45: {  	_ =	shalt  }
0x46: {  	_ =	shalt  }
0x47: {  	_ =	shalt  }
0x48: {  	_ =	shalt  }
0x49: {  	_ =	shalt  }
0x4a: {  	_ =	shalt  }
0x4b: {  	_ =	shalt  }
0x4c: {  	_ =	shalt  }
0x4d: {  	_ =	shalt  }
0x4e: {  	_ =	shalt  }
0x4f: {  	_ =	shalt  }
0x50: {  	_ =	shalt  }
0x51: {  	_ =	shalt  }
0x52: {  	_ =	shalt  }
0x53: {  	_ =	shalt  }
0x54: {  	_ =	shalt  }
0x55: {  	_ =	shalt  }
0x56: {  	_ =	shalt  }
0x57: {  	_ =	shalt  }
0x58: {  	_ =	shalt  }
0x59: {  	_ =	shalt  }
0x5a: {  	_ =	shalt  }
0x5b: {  	_ =	shalt  }
0x5c: {  	_ =	shalt  }
0x5d: {  	_ =	shalt  }
0x5e: {  	_ =	shalt  }
0x5f: {  	_ =	shalt  }
0x60: {  	_ =	shalt  }
0x61: {  	_ =	shalt  }
0x62: {  	_ =	shalt  }
0x63: {  	_ =	shalt  }
0x64: {  	_ =	shalt  }
0x65: {  	_ =	shalt  }
0x66: {  	_ =	shalt  }
0x67: {  	_ =	shalt  }
0x68: {  	_ =	shalt  }
0x69: {  	_ =	shalt  }
0x6a: {  	_ =	shalt  }
0x6b: {  	_ =	shalt  }
0x6c: {  	_ =	shalt  }
0x6d: {  	_ =	shalt  }
0x6e: {  	_ =	shalt  }
0x6f: {  	_ =	shalt  }
0x70: {  	_ =	shalt  }
0x71: {  	_ =	shalt  }
0x72: {  	_ =	shalt  }
0x73: {  	_ =	shalt  }
0x74: {  	_ =	shalt  }
0x75: {  	_ =	shalt  }
0x76: {  	_ =	shalt  }
0x77: {  	_ =	shalt  }
0x78: {  	_ =	shalt  }
0x79: {  	_ =	shalt  }
0x7a: {  	_ =	shalt  }
0x7b: {  	_ =	shalt  }
0x7c: {  	_ =	shalt  }
0x7d: {  	_ =	shalt  }
0x7e: {  	_ =	shalt  }
0x7f: {  	_ =	shalt  }
0x80: {  	_ =	shalt  }
0x81: {  	_ =	shalt  }
0x82: {  	_ =	shalt  }
0x83: {  	_ =	shalt  }
0x84: {  	_ =	shalt  }
0x85: {  	_ =	shalt  }
0x86: {  	_ =	shalt  }
0x87: {  	_ =	shalt  }
.Lfunc_end0:
.L_simem_size_0:
called_computation_lowered:
.L_overlay_start_0:
0x88: {  	s2 =	sld [smem:$0x3FD9]  }
0x89: {  	s3 =	sld [smem:$0x3FFE];
	_ =	sdelay $0x1  }
0x8a: {  	s1 =	srdreg.scid  }
0x8b: {  	s0 =	sand.u32 $0x1, s1  }
0x8c: {  	s14 =	sshll.u32 s0, $0xA;
	s2 =	sadd.s32 s3, s2  }
0x8d: {  	s2 =	sadd.s32 s2, s14  }
0x8e: {  	[smem:$0x3FC6] =	sst s2  }
0x8f: {  	_ = 	snop  }
0x90: {  	s2 =	sld [smem:$0x3FD0];
	_ =	sdelay $0x2  }
0x91: {  	s15 =	simm.s32 $0xA;
	s4 =	simm.s32 $0x10  }
0x92: {  	[smem:s4], [sflag:s15] =	dma.local [hbm:s2], $0x1  }
0x93: {  	_ =	swait.eq [sflag:s15], $0x1  }
0x94: {  	[sflag:s15] =	ssyncset.done $0x0  }
0x95: {  	[sflag:s15] =	ssyncadd.s32 $0xFFFFFFFF  }
0x96: {  	s16 =	sld [smem:$0x10];
	(tm) =	ssettm $0x1  }
0x97: {  	s17 =	sld [smem:$0x3FFB];
	_ =	sdelay $0x3  }
0x98: {  	_ =	strace s17  }
0x99: {  	s3 =	sld [smem:$0x3FFC];
	_ =	sdelay $0x3  }
0x9a: {  	_ =	strace s3  }
0x9b: {  	s3 =	sld [smem:$0x3FFD];
	_ =	sdelay $0x3  }
0x9c: {  	_ =	strace s3  }
0x9d: {  	_ =	strace $0x8FFFFFFF  }
0x9e: {  	s18 =	sld [smem:$0x3FDB];
	_ =	sdelay $0x1  }
0x9f: {  	s19 =	simm.s32 $_scs_section_size  }
0xa0: {  	s5 =	simm.s32 $_size__tile_overlayer_lowered;
	s6 =	simm.s32 $_tile_overlayer_lowered  }
0xa1: {  	s22 =	simm.s32 $0x1BFF;
	s21 =	sshll.u32 s6, $0x1;
	s3 =	sadd.s32 s19, s18  }
0xa2: {  	s7 =	simm.s32 $0x0;
	s20 =	sshll.u32 s5, $0x1;
	s5 =	sadd.s32 s21, s3  }
0xa3: {  	[timem:s7], [sflag:s22] =	dma.local [hbm:s5], s20  }
0xa4: {  	_ =	swait.ge [sflag:s22], s20  }
0xa5: {  	s4 =	ssub.s32 $0x0, s20;
	[sflag:s22] =	ssyncset.done $0x0  }
0xa6: {  	[sflag:s22] =	ssyncadd.s32 s4;
	_ =	sdelay $0x1  }
0xa7: {  	s23 =	simm.s32 $0x1B8B  }
0xa8: {  	_ =	swait.ge [sflag:s23], $0x1  }
0xa9: {  	[sflag:s23] =	ssyncset.done $0x0  }
0xaa: {  	s25 =	simm.s32 $0x1B8E;
	s24 =	sld [smem:$0x3FFE];
	[sflag:s23] =	ssyncadd.s32 $0xFFFFFFFF  }
0xab: {  	s26 =	simm.s32 $execute0_lowered;
	[smem:$0x3FD2] =	sst s25  }
0xac: {  	s5 =	sshll.u32 s26, $0x1;
	_ =	strace $0x80000046;
	[dreg:$0x1] =	wrdreg $0xFFFFFFFF  }
0xad: {  	s28 =	simm.s32 $_size_execute0_lowered;
	s3 =	sadd.s32 s3, s5;
	[dreg:$0x0] =	wrdreg $0x0  }
0xae: {  	s5 =	sshll.u32 s28, $0x1;
	[dreg:$0x2] =	wrdreg s3  }
0xaf: {  	[dreg:$0x3] =	wrdreg s5  }
0xb0: {  	[dreg:$0x4] =	wrdreg $0xC0  }
0xb1: {  	_ =	task [dreg:s7], $0x5FFFF  }
0xb2: {  	[dreg:$0x1] =	wrdreg $0xFFFFFFFF  }
0xb3: {  	[dreg:$0x0] =	wrdreg $0x60  }
0xb4: {  	[dreg:$0x2] =	wrdreg s24  }
0xb5: {  	[dreg:$0x3] =	wrdreg s16  }
0xb6: {  	[dreg:$0x4] =	wrdreg $0x9  }
0xb7: {  	_ =	task.clear_ibuf [dreg:s7], $0x5FFFF;
	_ =	strace $0x90000046  }
0xb8: {  	s29 =	simm.s32 $0x9;
	_ =	strace $0x80000048  }
0xb9: {  	_ =	swait.ge [sflag:s29], $0x1  }
0xba: {  	[sflag:s29] =	ssyncadd.s32 $0xFFFFFFFF  }
0xbb: {  	_ =	strace $0x90000048  }
0xbc: {  	_ =	sfence  }
0xbd: {  	s30 =	sld [smem:$0x0];
	_ =	sdelay $0x2  }
0xbe: {  	s31 =	sshll.u32 s1, $0xD;
	s1 =	sshrl.u32 s1, $0x2  }
0xbf: {  	s3 =	sand.u32 $0x4000, s31;
	s1 =	sadd.s32 s1, s30  }
0xc0: {  	s0 =	sor.u32 s3, s0;
	s1 =	sshll.u32 s1, $0x11  }
0xc1: {  	s0 =	sor.u32 s1, s0  }
0xc2: {  	s0 =	sadd.s32 $0x8F2B, s0  }
0xc3: {  	[sflag:s0] =	ssyncadd.remote.s32 $0x1  }
0xc4: {  	_ =	sfence.sel $0xFFFF  }
0xc5: {  	[dreg:$0x0] =	wrdreg $0xFFFFFFFF;
	(pc) =	sbr.abs _section_cstart, $3  }
0xc6: {  	[dreg:$0x1] =	wrdreg $0xFFFFFFFF  }
0xc7: {  	_ =	task.clear_ibuf [dreg:s7], $0x2FFFF;
	_ =	strace $0x9FFFFFFF  }
0xc8: {  	(tm) =	ssettm $0x7FFFFFFF  }
0xc9: {  	_ =	shalt  }
tec
execute0_lowered:
.L_overlay_start_1:
0x0: {  	(tag) =	ssettag $0x1  }
0x1: {  	s1 =	srdreg.scid;
	s3 =	rddreg [dreg:$0x0]  }
0x2: {  	s0 =	stileid.u32;
	s5 =	rddreg [dreg:$0x1]  }
0x3: {  	s18 =	simm.s32 $0x80;
	s19 =	simm.s32 $0x900;
	s20 =	simm.s32 $0x1100  }
0x4: {  	s21 =	simm.s32 $0x1900;
	s23 =	simm.s32 $0x2100;
	s24 =	simm.s32 $0x2900  }
0x5: {  	s25 =	simm.s32 $0x3100;
	s26 =	simm.s32 $0x3900;
	s8 =	simm.s32 $0x4900  }
0x6: {  	s9 =	simm.s32 $0x5100;
	s10 =	simm.s32 $0x5900;
	s11 =	simm.s32 $0x6100  }
0x7: {  	s12 =	simm.s32 $0x6900;
	s13 =	simm.s32 $0x7100;
	s1 =	sand.u32 $0x1, s1  }
0x8: {  	s14 =	simm.s32 $0x7900;
	s2 =	sshll.u32 s0, $0x9;
	s4 =	sshll.u32 s1, $0x8  }
0x9: {  	s15 =	simm.s32 $0x8100;
	s4 =	sor.u32 s4, s2;
	s2 =	simm.s32 $0x0  }
0xa: {  	s16 =	simm.s32 $0x8900;
	s17 =	simm.s32 $0x9100;
	[smem:$0x7FF] =	sst s2  }
0xb: {  	s28 =	simm.s32 $0xE100;
	_ =	strace $0x80000047;
	[dreg:$0x6] =	wrdreg s18  }
0xc: {  	s29 =	simm.s32 $0xE900;
	s30 =	simm.s32 $0xF100;
	[dreg:$0x7] =	wrdreg s19  }
0xd: {  	s31 =	simm.s32 $0xF900;
	s1 =	ssub.s32 $0x2, s1;
	[dreg:$0x8] =	wrdreg s20  }
0xe: {  	s22 =	sshrl.u32 s1, $0x1;
	s6 =	sshrl.u32 s4, $0x3;
	[dreg:$0x9] =	wrdreg s21  }
0xf: {  	s4 =	sshll.u32 s4, $0x5;
	s1 =	ssub.s32 s1, s22;
	[dreg:$0xa] =	wrdreg s23  }
0x10: {  	s22 =	simm.s32 $0xB900;
	s6 =	sadd.s32 s6, s3;
	[dreg:$0xb] =	wrdreg s24  }
0x11: {  	s4 =	sadd.s32 s5, s4;
	s3 =	sadd.s32 $0x800, s3;
	[dreg:$0xc] =	wrdreg s25  }
0x12: {  	s5 =	simm.s32 $0x2;
	[dreg:$0xd] =	wrdreg s26;
	s18 =	simm.s32 $0x9900  }
0x13: {  	s19 =	simm.s32 $0xA100;
	s20 =	simm.s32 $0xA900;
	s21 =	simm.s32 $0xB100  }
0x14: {  	s23 =	simm.s32 $0xC100;
	s24 =	simm.s32 $0xC900;
	s25 =	simm.s32 $0xD100  }
0x15: {  	v2 =	vlaneseq.u32;
	s26 =	simm.s32 $0xD900;
	s7 =	sadd.s32 $0x40800, s6;
	[dreg:$0x5] =	wrdreg s4  }
0x16: {  	vm0 =	vmmov $0xffff;
	v1 =	vshrl.u32 v2, $0x3;
	s6 =	sadd.s32 $0x40810, s6;
	s4 =	smax.u32 s1, $0x1;
	[dreg:$0x3] =	wrdreg s7  }
0x17: {  	v0 =	vand.u32 $0x7, v2;
	v2 =	vor.u32 $0x8, v2;
	v1 =	vmul.u32 $0x8, v1;
	s1 =	simm.s32 $0x1;
	[dreg:$0x4] =	wrdreg s6;
	s6 =	simm.s32 $0x100  }
.LBB2_1:
0x18: {  	s0 =	rddreg [dreg:$0x3]  }
0x19: {  	[tilespmem:s2], [sflag:$0x2] =	stream.linear.gather [hbm4b:s0+s2], $0x80, $0x38;
	[tilespmem:$0x10100] =	vst v63  }
0x1a: {  	_ =	swait.ge [sflag:s5], $0x80  }
0x1b: {  	s0 =	rddreg [dreg:$0x4];
	[sflag:s5] =	ssyncset.done $0x0  }
0x1c: {  	s7 =	rddreg [dreg:$0x6];
	[sflag:s5] =	ssyncadd.s32 $0xFFFFFF80  }
0x1d: {  	[tilespmem:s7], [sflag:$0x2] =	stream.linear.gather [hbm4b:s0+s2], $0x80, $0x38;
	[tilespmem:$0x10100] =	vst v63  }
0x1e: {  	_ =	swait.ge [sflag:s5], $0x80  }
0x1f: {  	[sflag:s5] =	ssyncset.done $0x0  }
0x20: {  	[sflag:s5] =	ssyncadd.s32 $0xFFFFFF80  }
0x21: {  	v3 =	vld [tilespmem:$0x0];
	_ =	sdelay $0x4  }
0x22: {  	v4 =	vshll.u32 v3, $0x1  }
0x23: {  	v3 =	vand.u32 $0x7, v3;
	v4 =	vand.u32 $0xFFFFFFF0, v4  }
0x24: {  	v3 =	vor.u32 v3, v4  }
0x25: {  	v4 =	vperm.xlane v3, v0;
	_ =	sdelay $0x1  }
0x26: {  	v3 =	vperm.xlane v3, v2;
	v4 =	vadd.s32 v1, v4;
	_ =	sdelay $0x1  }
0x27: {  	v3 =	vadd.s32 v1, v3;
	_ =	sdelay $0x2  }
0x28: {  	[tilespmem:s6], [sflag:$0x1] =	stream.indirect_vreg.gather [hbm4b:s3+s2], $0x80, v4, vm0, $0xb8;
	[tilespmem:$0x10100] =	vst v63  }
0x29: {  	s7 =	rddreg [dreg:$0x7]  }
0x2a: {  	[tilespmem:s7], [sflag:$0x1] =	stream.indirect_vreg.gather [hbm4b:s3+s2], $0x80, v3, vm0, $0xb8;
	[tilespmem:$0x10100] =	vst v63  }
0x2b: {  	v3 =	vld [tilespmem:$0x10];
	_ =	sdelay $0x4  }
0x2c: {  	v49 =	vshll.u32 v3, $0x1  }
0x2d: {  	v3 =	vand.u32 $0x7, v3;
	v4 =	vand.u32 $0xFFFFFFF0, v49  }
0x2e: {  	v3 =	vor.u32 v3, v4  }
0x2f: {  	v4 =	vperm.xlane v3, v0;
	_ =	sdelay $0x1  }
0x30: {  	v3 =	vperm.xlane v3, v2;
	v4 =	vadd.s32 v1, v4;
	_ =	sdelay $0x1  }
0x31: {  	v3 =	vadd.s32 v1, v3;
	_ =	sdelay $0x1  }
0x32: {  	s0 =	rddreg [dreg:$0x8]  }
0x33: {  	[tilespmem:s0], [sflag:$0x1] =	stream.indirect_vreg.gather [hbm4b:s3+s2], $0x80, v4, vm0, $0xb8;
	[tilespmem:$0x10100] =	vst v63  }
0x34: {  	s7 =	rddreg [dreg:$0x9]  }
0x35: {  	[tilespmem:s7], [sflag:$0x1] =	stream.indirect_vreg.gather [hbm4b:s3+s2], $0x80, v3, vm0, $0xb8;
	[tilespmem:$0x10100] =	vst v63  }
0x36: {  	v3 =	vld [tilespmem:$0x20];
	_ =	sdelay $0x4  }
0x37: {  	v50 =	vshll.u32 v3, $0x1  }
0x38: {  	v3 =	vand.u32 $0x7, v3;
	v4 =	vand.u32 $0xFFFFFFF0, v50  }
0x39: {  	v3 =	vor.u32 v3, v4  }
0x3a: {  	v4 =	vperm.xlane v3, v0;
	_ =	sdelay $0x1  }
0x3b: {  	v3 =	vperm.xlane v3, v2;
	v4 =	vadd.s32 v1, v4;
	_ =	sdelay $0x1  }
0x3c: {  	v3 =	vadd.s32 v1, v3;
	_ =	sdelay $0x1  }
0x3d: {  	s0 =	rddreg [dreg:$0xa]  }
0x3e: {  	[tilespmem:s0], [sflag:$0x1] =	stream.indirect_vreg.gather [hbm4b:s3+s2], $0x80, v4, vm0, $0xb8;
	[tilespmem:$0x10100] =	vst v63  }
0x3f: {  	s7 =	rddreg [dreg:$0xb]  }
0x40: {  	[tilespmem:s7], [sflag:$0x1] =	stream.indirect_vreg.gather [hbm4b:s3+s2], $0x80, v3, vm0, $0xb8;
	[tilespmem:$0x10100] =	vst v63  }
0x41: {  	v3 =	vld [tilespmem:$0x30];
	_ =	sdelay $0x4  }
0x42: {  	v51 =	vshll.u32 v3, $0x1  }
0x43: {  	v3 =	vand.u32 $0x7, v3;
	v4 =	vand.u32 $0xFFFFFFF0, v51  }
0x44: {  	v3 =	vor.u32 v3, v4  }
0x45: {  	v4 =	vperm.xlane v3, v0;
	_ =	sdelay $0x1  }
0x46: {  	v3 =	vperm.xlane v3, v2;
	v4 =	vadd.s32 v1, v4;
	_ =	sdelay $0x1  }
0x47: {  	v3 =	vadd.s32 v1, v3;
	_ =	sdelay $0x1  }
0x48: {  	s0 =	rddreg [dreg:$0xc]  }
0x49: {  	[tilespmem:s0], [sflag:$0x1] =	stream.indirect_vreg.gather [hbm4b:s3+s2], $0x80, v4, vm0, $0xb8;
	[tilespmem:$0x10100] =	vst v63  }
0x4a: {  	s7 =	rddreg [dreg:$0xd]  }
0x4b: {  	[tilespmem:s7], [sflag:$0x1] =	stream.indirect_vreg.gather [hbm4b:s3+s2], $0x80, v3, vm0, $0xb8;
	[tilespmem:$0x10100] =	vst v63  }
0x4c: {  	v3 =	vld [tilespmem:$0x40];
	_ =	sdelay $0x4  }
0x4d: {  	v52 =	vshll.u32 v3, $0x1  }
0x4e: {  	v3 =	vand.u32 $0x7, v3;
	v4 =	vand.u32 $0xFFFFFFF0, v52  }
0x4f: {  	v3 =	vor.u32 v3, v4  }
0x50: {  	v4 =	vperm.xlane v3, v0;
	_ =	sdelay $0x1  }
0x51: {  	v3 =	vperm.xlane v3, v2;
	v4 =	vadd.s32 v1, v4;
	_ =	sdelay $0x1  }
0x52: {  	v3 =	vadd.s32 v1, v3;
	_ =	sdelay $0x1  }
0x53: {  	s7 =	simm.s32 $0x4100  }
0x54: {  	[tilespmem:s7], [sflag:$0x1] =	stream.indirect_vreg.gather [hbm4b:s3+s2], $0x80, v4, vm0, $0xb8;
	[tilespmem:$0x10100] =	vst v63  }
0x55: {  	_ = 	snop  }
0x56: {  	[tilespmem:s8], [sflag:$0x1] =	stream.indirect_vreg.gather [hbm4b:s3+s2], $0x80, v3, vm0, $0xb8;
	[tilespmem:$0x10100] =	vst v63  }
0x57: {  	v3 =	vld [tilespmem:$0x50];
	_ =	sdelay $0x4  }
0x58: {  	v53 =	vshll.u32 v3, $0x1  }
0x59: {  	v3 =	vand.u32 $0x7, v3;
	v4 =	vand.u32 $0xFFFFFFF0, v53  }
0x5a: {  	v3 =	vor.u32 v3, v4  }
0x5b: {  	v4 =	vperm.xlane v3, v0;
	_ =	sdelay $0x1  }
0x5c: {  	v3 =	vperm.xlane v3, v2;
	v4 =	vadd.s32 v1, v4;
	_ =	sdelay $0x1  }
0x5d: {  	v3 =	vadd.s32 v1, v3;
	_ =	sdelay $0x2  }
0x5e: {  	[tilespmem:s9], [sflag:$0x1] =	stream.indirect_vreg.gather [hbm4b:s3+s2], $0x80, v4, vm0, $0xb8;
	[tilespmem:$0x10100] =	vst v63  }
0x5f: {  	_ = 	snop  }
0x60: {  	[tilespmem:s10], [sflag:$0x1] =	stream.indirect_vreg.gather [hbm4b:s3+s2], $0x80, v3, vm0, $0xb8;
	[tilespmem:$0x10100] =	vst v63  }
0x61: {  	v3 =	vld [tilespmem:$0x60];
	_ =	sdelay $0x4  }
0x62: {  	v54 =	vshll.u32 v3, $0x1  }
0x63: {  	v3 =	vand.u32 $0x7, v3;
	v4 =	vand.u32 $0xFFFFFFF0, v54  }
0x64: {  	v3 =	vor.u32 v3, v4  }
0x65: {  	v4 =	vperm.xlane v3, v0;
	_ =	sdelay $0x1  }
0x66: {  	v3 =	vperm.xlane v3, v2;
	v4 =	vadd.s32 v1, v4;
	_ =	sdelay $0x1  }
0x67: {  	v3 =	vadd.s32 v1, v3;
	_ =	sdelay $0x2  }
0x68: {  	[tilespmem:s11], [sflag:$0x1] =	stream.indirect_vreg.gather [hbm4b:s3+s2], $0x80, v4, vm0, $0xb8;
	[tilespmem:$0x10100] =	vst v63  }
0x69: {  	_ = 	snop  }
0x6a: {  	[tilespmem:s12], [sflag:$0x1] =	stream.indirect_vreg.gather [hbm4b:s3+s2], $0x80, v3, vm0, $0xb8;
	[tilespmem:$0x10100] =	vst v63  }
0x6b: {  	v3 =	vld [tilespmem:$0x70];
	_ =	sdelay $0x4  }
0x6c: {  	v55 =	vshll.u32 v3, $0x1  }
0x6d: {  	v3 =	vand.u32 $0x7, v3;
	v4 =	vand.u32 $0xFFFFFFF0, v55  }
0x6e: {  	v3 =	vor.u32 v3, v4  }
0x6f: {  	v4 =	vperm.xlane v3, v0;
	_ =	sdelay $0x1  }
0x70: {  	v3 =	vperm.xlane v3, v2;
	v4 =	vadd.s32 v1, v4;
	_ =	sdelay $0x1  }
0x71: {  	v3 =	vadd.s32 v1, v3;
	_ =	sdelay $0x2  }
0x72: {  	[tilespmem:s13], [sflag:$0x1] =	stream.indirect_vreg.gather [hbm4b:s3+s2], $0x80, v4, vm0, $0xb8;
	[tilespmem:$0x10100] =	vst v63  }
0x73: {  	_ = 	snop  }
0x74: {  	[tilespmem:s14], [sflag:$0x1] =	stream.indirect_vreg.gather [hbm4b:s3+s2], $0x80, v3, vm0, $0xb8;
	[tilespmem:$0x10100] =	vst v63  }
0x75: {  	v3 =	vld [tilespmem:$0x80];
	_ =	sdelay $0x4  }
0x76: {  	v56 =	vshll.u32 v3, $0x1  }
0x77: {  	v3 =	vand.u32 $0x7, v3;
	v4 =	vand.u32 $0xFFFFFFF0, v56  }
0x78: {  	v3 =	vor.u32 v3, v4  }
0x79: {  	v4 =	vperm.xlane v3, v0;
	_ =	sdelay $0x1  }
0x7a: {  	v3 =	vperm.xlane v3, v2;
	v4 =	vadd.s32 v1, v4;
	_ =	sdelay $0x1  }
0x7b: {  	v3 =	vadd.s32 v1, v3;
	_ =	sdelay $0x2  }
0x7c: {  	[tilespmem:s15], [sflag:$0x1] =	stream.indirect_vreg.gather [hbm4b:s3+s2], $0x80, v4, vm0, $0xb8;
	[tilespmem:$0x10100] =	vst v63  }
0x7d: {  	_ = 	snop  }
0x7e: {  	[tilespmem:s16], [sflag:$0x1] =	stream.indirect_vreg.gather [hbm4b:s3+s2], $0x80, v3, vm0, $0xb8;
	[tilespmem:$0x10100] =	vst v63  }
0x7f: {  	v3 =	vld [tilespmem:$0x90];
	_ =	sdelay $0x4  }
0x80: {  	v57 =	vshll.u32 v3, $0x1  }
0x81: {  	v3 =	vand.u32 $0x7, v3;
	v4 =	vand.u32 $0xFFFFFFF0, v57  }
0x82: {  	v3 =	vor.u32 v3, v4  }
0x83: {  	v4 =	vperm.xlane v3, v0;
	_ =	sdelay $0x1  }
0x84: {  	v3 =	vperm.xlane v3, v2;
	v4 =	vadd.s32 v1, v4;
	_ =	sdelay $0x1  }
0x85: {  	v3 =	vadd.s32 v1, v3;
	_ =	sdelay $0x2  }
0x86: {  	[tilespmem:s17], [sflag:$0x1] =	stream.indirect_vreg.gather [hbm4b:s3+s2], $0x80, v4, vm0, $0xb8;
	[tilespmem:$0x10100] =	vst v63  }
0x87: {  	_ = 	snop  }
0x88: {  	[tilespmem:s18], [sflag:$0x1] =	stream.indirect_vreg.gather [hbm4b:s3+s2], $0x80, v3, vm0, $0xb8;
	[tilespmem:$0x10100] =	vst v63  }
0x89: {  	v3 =	vld [tilespmem:$0xA0];
	_ =	sdelay $0x4  }
0x8a: {  	v58 =	vshll.u32 v3, $0x1  }
0x8b: {  	v3 =	vand.u32 $0x7, v3;
	v4 =	vand.u32 $0xFFFFFFF0, v58  }
0x8c: {  	v3 =	vor.u32 v3, v4  }
0x8d: {  	v4 =	vperm.xlane v3, v0;
	_ =	sdelay $0x1  }
0x8e: {  	v3 =	vperm.xlane v3, v2;
	v4 =	vadd.s32 v1, v4;
	_ =	sdelay $0x1  }
0x8f: {  	v3 =	vadd.s32 v1, v3;
	_ =	sdelay $0x2  }
0x90: {  	[tilespmem:s19], [sflag:$0x1] =	stream.indirect_vreg.gather [hbm4b:s3+s2], $0x80, v4, vm0, $0xb8;
	[tilespmem:$0x10100] =	vst v63  }
0x91: {  	_ = 	snop  }
0x92: {  	[tilespmem:s20], [sflag:$0x1] =	stream.indirect_vreg.gather [hbm4b:s3+s2], $0x80, v3, vm0, $0xb8;
	[tilespmem:$0x10100] =	vst v63  }
0x93: {  	v3 =	vld [tilespmem:$0xB0];
	_ =	sdelay $0x4  }
0x94: {  	v59 =	vshll.u32 v3, $0x1  }
0x95: {  	v3 =	vand.u32 $0x7, v3;
	v4 =	vand.u32 $0xFFFFFFF0, v59  }
0x96: {  	v3 =	vor.u32 v3, v4  }
0x97: {  	v4 =	vperm.xlane v3, v0;
	_ =	sdelay $0x1  }
0x98: {  	v3 =	vperm.xlane v3, v2;
	v4 =	vadd.s32 v1, v4;
	_ =	sdelay $0x1  }
0x99: {  	v3 =	vadd.s32 v1, v3;
	_ =	sdelay $0x2  }
0x9a: {  	[tilespmem:s21], [sflag:$0x1] =	stream.indirect_vreg.gather [hbm4b:s3+s2], $0x80, v4, vm0, $0xb8;
	[tilespmem:$0x10100] =	vst v63  }
0x9b: {  	_ = 	snop  }
0x9c: {  	[tilespmem:s22], [sflag:$0x1] =	stream.indirect_vreg.gather [hbm4b:s3+s2], $0x80, v3, vm0, $0xb8;
	[tilespmem:$0x10100] =	vst v63  }
0x9d: {  	v3 =	vld [tilespmem:$0xC0];
	_ =	sdelay $0x4  }
0x9e: {  	v60 =	vshll.u32 v3, $0x1  }
0x9f: {  	v3 =	vand.u32 $0x7, v3;
	v4 =	vand.u32 $0xFFFFFFF0, v60  }
0xa0: {  	v3 =	vor.u32 v3, v4  }
0xa1: {  	v4 =	vperm.xlane v3, v0;
	_ =	sdelay $0x1  }
0xa2: {  	v3 =	vperm.xlane v3, v2;
	v4 =	vadd.s32 v1, v4;
	_ =	sdelay $0x1  }
0xa3: {  	v3 =	vadd.s32 v1, v3;
	_ =	sdelay $0x2  }
0xa4: {  	[tilespmem:s23], [sflag:$0x1] =	stream.indirect_vreg.gather [hbm4b:s3+s2], $0x80, v4, vm0, $0xb8;
	[tilespmem:$0x10100] =	vst v63  }
0xa5: {  	_ = 	snop  }
0xa6: {  	[tilespmem:s24], [sflag:$0x1] =	stream.indirect_vreg.gather [hbm4b:s3+s2], $0x80, v3, vm0, $0xb8;
	[tilespmem:$0x10100] =	vst v63  }
0xa7: {  	v3 =	vld [tilespmem:$0xD0];
	_ =	sdelay $0x4  }
0xa8: {  	v61 =	vshll.u32 v3, $0x1  }
0xa9: {  	v3 =	vand.u32 $0x7, v3;
	v4 =	vand.u32 $0xFFFFFFF0, v61  }
0xaa: {  	v3 =	vor.u32 v3, v4  }
0xab: {  	v4 =	vperm.xlane v3, v0;
	_ =	sdelay $0x1  }
0xac: {  	v3 =	vperm.xlane v3, v2;
	v4 =	vadd.s32 v1, v4;
	_ =	sdelay $0x1  }
0xad: {  	v3 =	vadd.s32 v1, v3;
	_ =	sdelay $0x2  }
0xae: {  	[tilespmem:s25], [sflag:$0x1] =	stream.indirect_vreg.gather [hbm4b:s3+s2], $0x80, v4, vm0, $0xb8;
	[tilespmem:$0x10100] =	vst v63  }
0xaf: {  	_ = 	snop  }
0xb0: {  	[tilespmem:s26], [sflag:$0x1] =	stream.indirect_vreg.gather [hbm4b:s3+s2], $0x80, v3, vm0, $0xb8;
	[tilespmem:$0x10100] =	vst v63  }
0xb1: {  	v3 =	vld [tilespmem:$0xE0];
	_ =	sdelay $0x4  }
0xb2: {  	v62 =	vshll.u32 v3, $0x1  }
0xb3: {  	v3 =	vand.u32 $0x7, v3;
	v4 =	vand.u32 $0xFFFFFFF0, v62  }
0xb4: {  	v3 =	vor.u32 v3, v4  }
0xb5: {  	v4 =	vperm.xlane v3, v0;
	_ =	sdelay $0x1  }
0xb6: {  	v3 =	vperm.xlane v3, v2;
	v4 =	vadd.s32 v1, v4;
	_ =	sdelay $0x1  }
0xb7: {  	v3 =	vadd.s32 v1, v3;
	_ =	sdelay $0x2  }
0xb8: {  	[tilespmem:s28], [sflag:$0x1] =	stream.indirect_vreg.gather [hbm4b:s3+s2], $0x80, v4, vm0, $0xb8;
	[tilespmem:$0x10100] =	vst v63  }
0xb9: {  	_ = 	snop  }
0xba: {  	[tilespmem:s29], [sflag:$0x1] =	stream.indirect_vreg.gather [hbm4b:s3+s2], $0x80, v3, vm0, $0xb8;
	[tilespmem:$0x10100] =	vst v63  }
0xbb: {  	v3 =	vld [tilespmem:$0xF0];
	_ =	sdelay $0x4  }
0xbc: {  	v63 =	vshll.u32 v3, $0x1  }
0xbd: {  	v3 =	vand.u32 $0x7, v3;
	v4 =	vand.u32 $0xFFFFFFF0, v63  }
0xbe: {  	v3 =	vor.u32 v3, v4  }
0xbf: {  	v4 =	vperm.xlane v3, v0;
	_ =	sdelay $0x1  }
0xc0: {  	v3 =	vperm.xlane v3, v2;
	v4 =	vadd.s32 v1, v4;
	_ =	sdelay $0x1  }
0xc1: {  	v3 =	vadd.s32 v1, v3;
	_ =	sdelay $0x2  }
0xc2: {  	[tilespmem:s30], [sflag:$0x1] =	stream.indirect_vreg.gather [hbm4b:s3+s2], $0x80, v4, vm0, $0xb8;
	[tilespmem:$0x10100] =	vst v63  }
0xc3: {  	_ = 	snop  }
0xc4: {  	[tilespmem:s31], [sflag:$0x1] =	stream.indirect_vreg.gather [hbm4b:s3+s2], $0x80, v3, vm0, $0xb8;
	[tilespmem:$0x10100] =	vst v63  }
0xc5: {  	_ =	swait.ge [sflag:s1], $0x8000  }
0xc6: {  	[sflag:s1] =	ssyncset.done $0x0  }
0xc7: {  	[sflag:s1] =	ssyncadd.s32 $0xFFFF8000  }
0xc8: {  	_ =	swait.ge [sflag:s1], $0x8000  }
0xc9: {  	p0 =	sne.s32 s4, $0x1;
	[sflag:s1] =	ssyncset.done $0x0  }
.Ltmp0:
0xca: {  	s7 =	rddreg [dreg:$0x5];
	[sflag:s1] =	ssyncadd.s32 $0xFFFF8000;
	(pc) =	sbr.rel @p0 .LBB2_1-.Ltmp0, $4  }
0xcb: {  	[hbm4b:s7+s2] =	stream.linear.scatter [tilespmem:s6], [sflag:$0x2], $0x10000, $0x38;
	[tilespmem:$0x10100] =	vst v63  }
0xcc: {  	_ =	swait.ge [sflag:s5], $0x10000  }
0xcd: {  	[sflag:s5] =	ssyncset.done $0x0  }
0xce: {  	s4 =	sadd.s32 $0xFFFFFFFF, s4;
	[sflag:s5] =	ssyncadd.s32 $0xFFFF0000  }
0xcf: {  	_ =	sfence.sel $0x180000  }
0xd0: {  	[bflag:$0x0] =	sbarrier.arrive $0xFFFF  }
0xd1: {  	_ =	strace $0x90000047  }
0xd2: {  	s0 =	stileid.u32;
	[bflag:$0x2] =	sbarrier.arrive $0xFFFF  }
0xd3: {  	p0 =	sne.s32 s0, $0x0;
	s0 =	rddreg [dreg:$0x2]  }
0xd4: {  	s0 =	sadd.s32 @!p0 $0x100000, s0  }
0xd5: {  	[sflag:s0] =	ssyncadd.tile.s32 @!p0 $0x1;
	_ =	shalt  }
.Lfunc_end2:
_tile_overlayer_lowered:
.L_overlay_start_2:
0xd6: {  	(tag) =	ssettag $0x2  }
0xd7: {  	s0 =	rddreg [dreg:$0x0];
	s2 =	stileid.u32  }
0xd8: {  	s1 =	rddreg [dreg:$0x1];
	p0 =	sne.s32 s2, $0x0  }
0xd9: {  	s3 =	rddreg [dreg:$0x2];
	[bflag:$0x3] =	sbarrier.arrive $0xFFFF;
	s2 =	simm.s32 @!p0 $0x1C02  }
0xda: {  	[timem:s3], [sflag:s2] =	dma.local @!p0 [hbm:s0], s1  }
0xdb: {  	s0 =	simm.s32 @!p0 $0x2  }
0xdc: {  	_ =	swait.ge @!p0 [sflag:s0], s1  }
0xdd: {  	s1 =	ssub.s32 @!p0 $0x0, s1;
	[sflag:s0] =	ssyncset.done @!p0 $0x0  }
0xde: {  	[sflag:s0] =	ssyncadd.s32 @!p0 s1  }
0xdf: {  	[bflag:$0x3] =	sbarrier.arrive $0xFFFF  }
0xe0: {  	_ =	shalt  }

</sc_bundles>
